<compile_context>
chip_gen: v7x
topology: tpu7x:2x2x1
jax: 0.10.2.dev20260603
libtpu: 0.0.44.dev20260713+nightly
codegen_flags: <defaults>
</compile_context>

<pallas_src>
import functools

import jax
import jax.numpy as jnp
from jax import lax
from jax.experimental import pallas as pl
from jax.experimental.pallas import tpu as pltpu
from jax.experimental.pallas import tpu_sc as plsc


def _sc_gather(flat_idx, table, n_rows, emb):
    info = plsc.get_sparse_core_info()
    nc, ns = info.num_cores, info.num_subcores
    nw = nc * ns
    per_w = n_rows // nw
    n_chunks = 2
    ch = per_w // n_chunks

    mesh = plsc.VectorSubcoreMesh(core_axis_name="c", subcore_axis_name="s")

    @functools.partial(
        pl.kernel,
        mesh=mesh,
        out_type=jax.ShapeDtypeStruct((n_rows, emb), jnp.float32),
        scratch_types=[
            pltpu.VMEM((per_w,), jnp.int32),
            pltpu.VMEM((ch, emb), jnp.float32),
            pltpu.SemaphoreType.DMA,
        ],
        compiler_params=pltpu.CompilerParams(use_tc_tiling_on_sc=False),
    )
    def gather_kernel(idx_hbm, tab_hbm, out_hbm, idx_v, rows_v, sem):
        wid = lax.axis_index("s") * nc + lax.axis_index("c")
        base = wid * per_w
        pltpu.sync_copy(idx_hbm.at[pl.ds(base, per_w)], idx_v)
        for c in range(n_chunks):
            pltpu.async_copy(
                tab_hbm.at[idx_v.at[pl.ds(c * ch, ch)]], rows_v, sem
            ).wait()
            pltpu.sync_copy(rows_v, out_hbm.at[pl.ds(base + c * ch, ch)])

    return gather_kernel(flat_idx, table)


def _mlp_body(g_ref, w1_ref, b1_ref, w2_ref, b2_ref, out_ref):
    g = g_ref[...].astype(jnp.bfloat16)
    big = jnp.concatenate([g, jnp.roll(g, -1, axis=0)], axis=1)
    p = jnp.dot(big, w1_ref[...], preferred_element_type=jnp.float32)
    h = jnp.tanh((p + b1_ref[...]).astype(jnp.bfloat16))
    o = jnp.dot(h, w2_ref[...], preferred_element_type=jnp.float32)
    out_ref[...] = jax.nn.sigmoid(o + b2_ref[...])


def kernel(inputs, embed, W1, b1, W2, b2):
    B, L = inputs.shape
    V, E = embed.shape
    SE, HID = W1.shape
    S = SE // E
    adj = L - S + 1
    n_rows = B * L
    per_row = 128 // E

    t4 = embed.reshape(V * E // 128, 128)
    t4 = t4.at[0, :E].set(0.0)
    flat_idx = inputs.reshape(n_rows)
    G = _sc_gather(flat_idx, t4.reshape(V, E), n_rows, E)
    G4 = G.reshape(n_rows // per_row, 128)

    Wbig = jnp.zeros((2 * 128, per_row * HID), jnp.float32)
    W2sel = jnp.zeros((per_row * HID, per_row), jnp.float32)
    for k in range(per_row):
        Wbig = Wbig.at[E * k : E * k + SE, HID * k : HID * k + HID].set(W1)
        W2sel = W2sel.at[HID * k : HID * k + HID, k].set(W2[:, 0])
    Wbig = Wbig.astype(jnp.bfloat16)
    W2sel = W2sel.astype(jnp.bfloat16)
    b1t = jnp.tile(b1, per_row).reshape(1, per_row * HID)
    b2r = b2.reshape(1, 1)

    seq_per_blk = 512
    R4 = seq_per_blk * L // per_row
    nb = n_rows // (R4 * per_row)

    out = pl.pallas_call(
        _mlp_body,
        grid=(nb,),
        in_specs=[
            pl.BlockSpec((R4, 128), lambda i: (i, 0)),
            pl.BlockSpec((2 * 128, per_row * HID), lambda i: (0, 0)),
            pl.BlockSpec((1, per_row * HID), lambda i: (0, 0)),
            pl.BlockSpec((per_row * HID, per_row), lambda i: (0, 0)),
            pl.BlockSpec((1, 1), lambda i: (0, 0)),
        ],
        out_specs=pl.BlockSpec((R4, per_row), lambda i: (i, 0)),
        out_shape=jax.ShapeDtypeStruct((n_rows // per_row, per_row), jnp.float32),
        compiler_params=pltpu.CompilerParams(
            dimension_semantics=("arbitrary",),
        ),
    )(G4, Wbig, b1t, W2sel, b2r)

    return out.reshape(B, L)[:, :adj]

# --- scband reference (transcript-rebuilt; emitter-appended) ---
"""Pipeline reference for scband-word-window-classifier-56693568307549 (READ-ONLY COPY).

The authoritative reference and input builder live on the scoring server;
editing this copy changes nothing except your own understanding.
"""

import jax, jax.numpy as jnp
import numpy as np

VOCAB = 1000000
EMBED = 32
WIN = 2
HID = 128
B = 4096
L = 50
S = 2 * WIN + 1


def setup_inputs(seed: int = 0) -> dict:
    key = jax.random.key(seed)
    k1, k2, k3, k4 = jax.random.split(key, 4)
    inputs = jax.random.randint(k1, (B, L), 0, VOCAB, dtype=jnp.int32)
    embed = jax.random.normal(k2, (VOCAB, EMBED), dtype=jnp.float32)
    W1 = jax.random.normal(k3, (S * EMBED, HID), dtype=jnp.float32) * 0.05
    b1 = jnp.zeros((HID,), dtype=jnp.float32)
    W2 = jax.random.normal(k4, (HID, 1), dtype=jnp.float32) * 0.05
    b2 = jnp.zeros((1,), dtype=jnp.float32)
    return {"inputs": inputs, "embed": embed, "W1": W1, "b1": b1, "W2": W2, "b2": b2}


def reference(inputs, embed, W1, b1, W2, b2):
    Bb, Ll = inputs.shape
    adj = Ll - S + 1
    # unfold(1, S, 1): sliding windows over the sequence axis -> (B, L~, S)
    win_idx = jnp.arange(adj)[:, None] + jnp.arange(S)[None, :]
    token_windows = inputs[:, win_idx]
    # padding_idx=0 => row 0 of the embedding table is fixed at zero
    emb_tab = embed.at[0].set(0.0)
    embedded_windows = jnp.take(emb_tab, token_windows, axis=0)  # (B, L~, S, D)
    embedded_windows = embedded_windows.reshape(Bb, adj, S * EMBED)
    layer_1 = jnp.tanh(embedded_windows @ W1 + b1)
    output = layer_1 @ W2 + b2
    output = jax.nn.sigmoid(output)
    return output.reshape(Bb, -1)

if __name__ == "__main__":
    import jax
    _d = setup_inputs()
    print(jax.jit(kernel)(*tuple(_d.values())))

</pallas_src>

<mosaic_0001>
#map = affine_map<(d0, d1) -> (0)>
#map1 = affine_map<(d0, d1) -> (0, 0)>
module attributes {stable_mosaic.version = 14 : i64} {
  func.func @gather_kernel(%arg0: i32, %arg1: i32, %arg2: memref<204800xi32, #tpu.memory_space<hbm>>, %arg3: memref<1000000x32xf32, #tpu.memory_space<hbm>>, %arg4: memref<204800x32xf32, #tpu.memory_space<hbm>>, %arg5: memref<6400xi32, #tpu.memory_space<vmem>>, %arg6: memref<3200x32xf32, #tpu.memory_space<vmem>>, %arg7: memref<!tpu.dma_semaphore, #tpu.memory_space<semaphore_mem>>) attributes {dimension_semantics = [#tpu.dimension_semantics<core_parallel>, #tpu.dimension_semantics<subcore_parallel>], iteration_bounds = array<i64: 2, 16>, scalar_prefetch = 0 : i64, scratch_operands = 3 : i64, tpu.core_type = #tpu.core_type<sc_vector_subcore>, window_params = [{transform_indices = #map}, {transform_indices = #map1}, {transform_indices = #map1}]} {
    %mul3A = arith.constant 2 : i32
    %mul3A_0 = arith.muli %arg1, %mul3A : i32
    %add3A = arith.addi %mul3A_0, %arg0 : i32
    %mul3A_1 = arith.constant 6400 : i32
    %mul3A_2 = arith.muli %add3A, %mul3A_1 : i32
    "tpu.region"() ({
      %run_scoped3A = tpu.sem_alloc : memref<!tpu.dma_semaphore, #tpu.memory_space<semaphore_mem>>
      %dma_start3A_25 = tpu.memref_slice %arg2[%mul3A_2] : memref<204800xi32, #tpu.memory_space<hbm>> -> memref<6400xi32, #tpu.memory_space<hbm>>
      %dma_start3A_26 = tpu.memref_slice %arg2[%mul3A_2] : memref<204800xi32, #tpu.memory_space<hbm>> -> memref<6400xi32, #tpu.memory_space<hbm>>
      tpu.enqueue_dma source(%dma_start3A_26 : memref<6400xi32, #tpu.memory_space<hbm>>) target(%arg5 : memref<6400xi32, #tpu.memory_space<vmem>>) target_semaphore(%run_scoped3A : memref<!tpu.dma_semaphore, #tpu.memory_space<semaphore_mem>>)
      %dma_wait3A_27 = tpu.memref_slice %arg2[%mul3A_2] : memref<204800xi32, #tpu.memory_space<hbm>> -> memref<6400xi32, #tpu.memory_space<hbm>>
      %dma_wait3A_28 = tpu.memref_slice %arg2[%mul3A_2] : memref<204800xi32, #tpu.memory_space<hbm>> -> memref<6400xi32, #tpu.memory_space<hbm>>
      tpu.wait_dma2 semaphore(%run_scoped3A : memref<!tpu.dma_semaphore, #tpu.memory_space<semaphore_mem>>) src(%dma_wait3A_28 : memref<6400xi32, #tpu.memory_space<hbm>>) dst(%arg5 : memref<6400xi32, #tpu.memory_space<vmem>>)
      tpu.yield
    }) : () -> ()
    %dma_start3A = arith.constant 0 : i32
    %dma_start3A_3 = tpu.memref_slice %arg5[%dma_start3A] : memref<6400xi32, #tpu.memory_space<vmem>> -> memref<3200xi32, #tpu.memory_space<vmem>>
    %dma_start3A_4 = arith.constant 0 : i32
    %dma_start3A_5 = arith.constant 0 : i32
    %dma_start3A_6 = tpu.memref_slice %arg3[%dma_start3A_4, %dma_start3A_5] : memref<1000000x32xf32, #tpu.memory_space<hbm>> -> memref<1000000x32xf32, #tpu.memory_space<hbm>>
    tpu.enqueue_indirect_dma source(%dma_start3A_6 : memref<1000000x32xf32, #tpu.memory_space<hbm>>) target(%arg6 : memref<3200x32xf32, #tpu.memory_space<vmem>>) offsets(%dma_start3A_3 : memref<3200xi32, #tpu.memory_space<vmem>>) semaphore(%arg7 : memref<!tpu.dma_semaphore, #tpu.memory_space<semaphore_mem>>)
    %dma_wait3A = arith.constant 0 : i32
    %dma_wait3A_7 = tpu.memref_slice %arg5[%dma_wait3A] : memref<6400xi32, #tpu.memory_space<vmem>> -> memref<3200xi32, #tpu.memory_space<vmem>>
    %dma_wait3A_8 = arith.constant 0 : i32
    %dma_wait3A_9 = arith.constant 0 : i32
    %dma_wait3A_10 = tpu.memref_slice %arg3[%dma_wait3A_8, %dma_wait3A_9] : memref<1000000x32xf32, #tpu.memory_space<hbm>> -> memref<1000000x32xf32, #tpu.memory_space<hbm>>
    tpu.wait_indirect_dma semaphore(%arg7 : memref<!tpu.dma_semaphore, #tpu.memory_space<semaphore_mem>>) src(%dma_wait3A_10 : memref<1000000x32xf32, #tpu.memory_space<hbm>>) dst(%arg6 : memref<3200x32xf32, #tpu.memory_space<vmem>>)
    %add3A_11 = arith.constant 0 : i32
    %add3A_12 = arith.addi %mul3A_2, %add3A_11 : i32
    "tpu.region"() ({
      %run_scoped3A = tpu.sem_alloc : memref<!tpu.dma_semaphore, #tpu.memory_space<semaphore_mem>>
      %dma_start3A_25 = arith.constant 0 : i32
      %dma_start3A_26 = tpu.memref_slice %arg4[%add3A_12, %dma_start3A_25] : memref<204800x32xf32, #tpu.memory_space<hbm>> -> memref<3200x32xf32, #tpu.memory_space<hbm>>
      %dma_start3A_27 = arith.constant 0 : i32
      %dma_start3A_28 = tpu.memref_slice %arg4[%add3A_12, %dma_start3A_27] : memref<204800x32xf32, #tpu.memory_space<hbm>> -> memref<3200x32xf32, #tpu.memory_space<hbm>>
      tpu.enqueue_dma source(%arg6 : memref<3200x32xf32, #tpu.memory_space<vmem>>) target(%dma_start3A_28 : memref<3200x32xf32, #tpu.memory_space<hbm>>) target_semaphore(%run_scoped3A : memref<!tpu.dma_semaphore, #tpu.memory_space<semaphore_mem>>)
      %dma_wait3A_29 = arith.constant 0 : i32
      %dma_wait3A_30 = tpu.memref_slice %arg4[%add3A_12, %dma_wait3A_29] : memref<204800x32xf32, #tpu.memory_space<hbm>> -> memref<3200x32xf32, #tpu.memory_space<hbm>>
      %dma_wait3A_31 = arith.constant 0 : i32
      %dma_wait3A_32 = tpu.memref_slice %arg4[%add3A_12, %dma_wait3A_31] : memref<204800x32xf32, #tpu.memory_space<hbm>> -> memref<3200x32xf32, #tpu.memory_space<hbm>>
      tpu.wait_dma2 semaphore(%run_scoped3A : memref<!tpu.dma_semaphore, #tpu.memory_space<semaphore_mem>>) src(%arg6 : memref<3200x32xf32, #tpu.memory_space<vmem>>) dst(%dma_wait3A_32 : memref<3200x32xf32, #tpu.memory_space<hbm>>)
      tpu.yield
    }) : () -> ()
    %dma_start3A_13 = arith.constant 3200 : i32
    %dma_start3A_14 = tpu.memref_slice %arg5[%dma_start3A_13] : memref<6400xi32, #tpu.memory_space<vmem>> -> memref<3200xi32, #tpu.memory_space<vmem>>
    %dma_start3A_15 = arith.constant 0 : i32
    %dma_start3A_16 = arith.constant 0 : i32
    %dma_start3A_17 = tpu.memref_slice %arg3[%dma_start3A_15, %dma_start3A_16] : memref<1000000x32xf32, #tpu.memory_space<hbm>> -> memref<1000000x32xf32, #tpu.memory_space<hbm>>
    tpu.enqueue_indirect_dma source(%dma_start3A_17 : memref<1000000x32xf32, #tpu.memory_space<hbm>>) target(%arg6 : memref<3200x32xf32, #tpu.memory_space<vmem>>) offsets(%dma_start3A_14 : memref<3200xi32, #tpu.memory_space<vmem>>) semaphore(%arg7 : memref<!tpu.dma_semaphore, #tpu.memory_space<semaphore_mem>>)
    %dma_wait3A_18 = arith.constant 3200 : i32
    %dma_wait3A_19 = tpu.memref_slice %arg5[%dma_wait3A_18] : memref<6400xi32, #tpu.memory_space<vmem>> -> memref<3200xi32, #tpu.memory_space<vmem>>
    %dma_wait3A_20 = arith.constant 0 : i32
    %dma_wait3A_21 = arith.constant 0 : i32
    %dma_wait3A_22 = tpu.memref_slice %arg3[%dma_wait3A_20, %dma_wait3A_21] : memref<1000000x32xf32, #tpu.memory_space<hbm>> -> memref<1000000x32xf32, #tpu.memory_space<hbm>>
    tpu.wait_indirect_dma semaphore(%arg7 : memref<!tpu.dma_semaphore, #tpu.memory_space<semaphore_mem>>) src(%dma_wait3A_22 : memref<1000000x32xf32, #tpu.memory_space<hbm>>) dst(%arg6 : memref<3200x32xf32, #tpu.memory_space<vmem>>)
    %add3A_23 = arith.constant 3200 : i32
    %add3A_24 = arith.addi %mul3A_2, %add3A_23 : i32
    "tpu.region"() ({
      %run_scoped3A = tpu.sem_alloc : memref<!tpu.dma_semaphore, #tpu.memory_space<semaphore_mem>>
      %dma_start3A_25 = arith.constant 0 : i32
      %dma_start3A_26 = tpu.memref_slice %arg4[%add3A_24, %dma_start3A_25] : memref<204800x32xf32, #tpu.memory_space<hbm>> -> memref<3200x32xf32, #tpu.memory_space<hbm>>
      %dma_start3A_27 = arith.constant 0 : i32
      %dma_start3A_28 = tpu.memref_slice %arg4[%add3A_24, %dma_start3A_27] : memref<204800x32xf32, #tpu.memory_space<hbm>> -> memref<3200x32xf32, #tpu.memory_space<hbm>>
      tpu.enqueue_dma source(%arg6 : memref<3200x32xf32, #tpu.memory_space<vmem>>) target(%dma_start3A_28 : memref<3200x32xf32, #tpu.memory_space<hbm>>) target_semaphore(%run_scoped3A : memref<!tpu.dma_semaphore, #tpu.memory_space<semaphore_mem>>)
      %dma_wait3A_29 = arith.constant 0 : i32
      %dma_wait3A_30 = tpu.memref_slice %arg4[%add3A_24, %dma_wait3A_29] : memref<204800x32xf32, #tpu.memory_space<hbm>> -> memref<3200x32xf32, #tpu.memory_space<hbm>>
      %dma_wait3A_31 = arith.constant 0 : i32
      %dma_wait3A_32 = tpu.memref_slice %arg4[%add3A_24, %dma_wait3A_31] : memref<204800x32xf32, #tpu.memory_space<hbm>> -> memref<3200x32xf32, #tpu.memory_space<hbm>>
      tpu.wait_dma2 semaphore(%run_scoped3A : memref<!tpu.dma_semaphore, #tpu.memory_space<semaphore_mem>>) src(%arg6 : memref<3200x32xf32, #tpu.memory_space<vmem>>) dst(%dma_wait3A_32 : memref<3200x32xf32, #tpu.memory_space<hbm>>)
      tpu.yield
    }) : () -> ()
    return
  }
}

module attributes {stable_mosaic.version = 14 : i64} {
  func.func @_mlp_body(%arg0: i32, %arg1: memref<6400x128xf32, #tpu.memory_space<vmem>>, %arg2: memref<256x512xbf16, #tpu.memory_space<vmem>>, %arg3: memref<1x512xf32, #tpu.memory_space<vmem>>, %arg4: memref<512x4xbf16, #tpu.memory_space<vmem>>, %arg5: memref<1x1xf32, #tpu.memory_space<vmem>>, %arg6: memref<6400x4xf32, #tpu.memory_space<vmem>>) attributes {dimension_semantics = [#tpu.dimension_semantics<arbitrary>], iteration_bounds = array<i64: 8>, scalar_prefetch = 0 : i64, scratch_operands = 0 : i64, tpu.core_type = #tpu.core_type<tc>, window_params = [{transform_indices = @transform_0, window_bounds = array<i64: 6400, 128>}, {pipeline_mode = #tpu.pipeline_mode<synchronous>, transform_indices = @transform_1, window_bounds = array<i64: 256, 512>}, {pipeline_mode = #tpu.pipeline_mode<synchronous>, transform_indices = @transform_2, window_bounds = array<i64: 1, 512>}, {pipeline_mode = #tpu.pipeline_mode<synchronous>, transform_indices = @transform_3, window_bounds = array<i64: 512, 4>}, {pipeline_mode = #tpu.pipeline_mode<synchronous>, transform_indices = @transform_4, window_bounds = array<i64: 1, 1>}, {transform_indices = @transform_5, window_bounds = array<i64: 6400, 4>}]} {
    %get3A = arith.constant 0 : index
    %get3A_0 = arith.constant 0 : index
    %get3A_1 = vector.load %arg1[%get3A, %get3A_0] : memref<6400x128xf32, #tpu.memory_space<vmem>>, vector<6400x128xf32>
    %convert_element_type3A = arith.truncf %get3A_1 : vector<6400x128xf32> to vector<6400x128xbf16>
    %slice3A = vector.extract_strided_slice %convert_element_type3A {offsets = [1, 0], sizes = [6399, 128], strides = [1, 1]} : vector<6400x128xbf16> to vector<6399x128xbf16>
    %slice3A_2 = vector.extract_strided_slice %convert_element_type3A {offsets = [0, 0], sizes = [1, 128], strides = [1, 1]} : vector<6400x128xbf16> to vector<1x128xbf16>
    %concatenate3A = tpu.concatenate %slice3A, %slice3A_2 in 0 : vector<6399x128xbf16>, vector<1x128xbf16> -> vector<6400x128xbf16>
    %concatenate3A_3 = tpu.concatenate %convert_element_type3A, %concatenate3A in 1 : vector<6400x128xbf16>, vector<6400x128xbf16> -> vector<6400x256xbf16>
    %get3A_4 = arith.constant 0 : index
    %get3A_5 = arith.constant 0 : index
    %get3A_6 = vector.load %arg2[%get3A_4, %get3A_5] : memref<256x512xbf16, #tpu.memory_space<vmem>>, vector<256x512xbf16>
    %dot_general3A = arith.constant dense<0.000000e+00> : vector<6400x512xf32>
    %dot_general3A_7 = tpu.matmul %concatenate3A_3, %get3A_6, %dot_general3A {dimension_numbers = #tpu.dot_dimension_numbers<[1], [0], [0], [1], [0, 0, 1, 1], [], []>, transpose_lhs_hint = false} : vector<6400x256xbf16>, vector<256x512xbf16>, vector<6400x512xf32> -> vector<6400x512xf32>
    %get3A_8 = arith.constant 0 : index
    %get3A_9 = arith.constant 0 : index
    %get3A_10 = vector.load %arg3[%get3A_8, %get3A_9] : memref<1x512xf32, #tpu.memory_space<vmem>>, vector<1x512xf32>
    %add3A = vector.broadcast %get3A_10 : vector<1x512xf32> to vector<6400x512xf32>
    %add3A_11 = arith.addf %dot_general3A_7, %add3A : vector<6400x512xf32>
    %convert_element_type3A_12 = arith.truncf %add3A_11 : vector<6400x512xf32> to vector<6400x512xbf16>
    %tanh3A = math.tanh %convert_element_type3A_12 : vector<6400x512xbf16>
    %get3A_13 = arith.constant 0 : index
    %get3A_14 = arith.constant 0 : index
    %get3A_15 = vector.load %arg4[%get3A_13, %get3A_14] : memref<512x4xbf16, #tpu.memory_space<vmem>>, vector<512x4xbf16>
    %dot_general3A_16 = arith.constant dense<0.000000e+00> : vector<6400x4xf32>
    %dot_general3A_17 = tpu.matmul %tanh3A, %get3A_15, %dot_general3A_16 {dimension_numbers = #tpu.dot_dimension_numbers<[1], [0], [0], [1], [0, 0, 1, 1], [], []>, transpose_lhs_hint = false} : vector<6400x512xbf16>, vector<512x4xbf16>, vector<6400x4xf32> -> vector<6400x4xf32>
    %get3A_18 = arith.constant 0 : index
    %get3A_19 = arith.constant 0 : index
    %get3A_20 = vector.load %arg5[%get3A_18, %get3A_19] : memref<1x1xf32, #tpu.memory_space<vmem>>, vector<1x1xf32>
    %add3A_21 = vector.broadcast %get3A_20 : vector<1x1xf32> to vector<6400x4xf32>
    %add3A_22 = arith.addf %dot_general3A_17, %add3A_21 : vector<6400x4xf32>
    %logistic3A = arith.negf %add3A_22 : vector<6400x4xf32>
    %logistic3A_23 = math.exp %logistic3A : vector<6400x4xf32>
    %logistic3A_24 = arith.constant 1.000000e+00 : f32
    %logistic3A_25 = vector.broadcast %logistic3A_24 : f32 to vector<6400x4xf32>
    %logistic3A_26 = arith.addf %logistic3A_25, %logistic3A_23 : vector<6400x4xf32>
    %logistic3A_27 = arith.divf %logistic3A_25, %logistic3A_26 : vector<6400x4xf32>
    %swap3A = arith.constant 0 : index
    %swap3A_28 = arith.constant 0 : index
    %swap3A_29 = vector.load %arg6[%swap3A, %swap3A_28] : memref<6400x4xf32, #tpu.memory_space<vmem>>, vector<6400x4xf32>
    tpu.vector_store %arg6[%swap3A, %swap3A_28], %logistic3A_27 {strides = array<i32>} : memref<6400x4xf32, #tpu.memory_space<vmem>>, vector<6400x4xf32>,
    return
  }
  func.func @transform_0(%arg0: i32) -> (i32, i32) {
    %c0_i32 = arith.constant 0 : i32
    %c0_i32_0 = arith.constant 0 : i32
    return %arg0, %c0_i32 : i32, i32
  }
  func.func @transform_1(%arg0: i32) -> (i32, i32) {
    %c0_i32 = arith.constant 0 : i32
    %c0_i32_0 = arith.constant 0 : i32
    %c0_i32_1 = arith.constant 0 : i32
    return %c0_i32, %c0_i32_0 : i32, i32
  }
  func.func @transform_2(%arg0: i32) -> (i32, i32) {
    %c0_i32 = arith.constant 0 : i32
    %c0_i32_0 = arith.constant 0 : i32
    %c0_i32_1 = arith.constant 0 : i32
    return %c0_i32, %c0_i32_0 : i32, i32
  }
  func.func @transform_3(%arg0: i32) -> (i32, i32) {
    %c0_i32 = arith.constant 0 : i32
    %c0_i32_0 = arith.constant 0 : i32
    %c0_i32_1 = arith.constant 0 : i32
    return %c0_i32, %c0_i32_0 : i32, i32
  }
  func.func @transform_4(%arg0: i32) -> (i32, i32) {
    %c0_i32 = arith.constant 0 : i32
    %c0_i32_0 = arith.constant 0 : i32
    %c0_i32_1 = arith.constant 0 : i32
    return %c0_i32, %c0_i32_0 : i32, i32
  }
  func.func @transform_5(%arg0: i32) -> (i32, i32) {
    %c0_i32 = arith.constant 0 : i32
    %c0_i32_0 = arith.constant 0 : i32
    return %arg0, %c0_i32 : i32, i32
  }
}

</mosaic_0001>

<sc_bundles>
// kernel: kernel.4.cloned.1.call-start
scs
__scs_entry_jumppad:
0x0: {  	(pc) =	sbr.rel $0x88, $3  }
0x1: {  	(tag) =	ssettag $0x0;
	lr =	simm.s32 $0x1  }
0x2: {  	[smem:$0x3F9B] =	sst lr;
	_ =	strace $0xD0000000  }
0x3: {  	_ = 	snop  }
0x4: {  	_ = 	snop  }
0x5: {  	_ = 	snop  }
0x6: {  	_ = 	snop  }
0x7: {  	_ = 	snop  }
__scs_overlays_trampoline_lowered:
0x8: {  	[smem:$0x3FAA] =	sst s0  }
0x9: {  	[smem:$0x3FAB] =	sst s1  }
0xa: {  	[smem:$0x3FAC] =	sst s2  }
0xb: {  	[smem:$0x3FAD] =	sst s3  }
0xc: {  	[smem:$0x3FAE] =	sst s4  }
0xd: {  	[smem:$0x3FAF] =	sst s5  }
0xe: {  	[smem:$0x3FB0] =	sst s6  }
0xf: {  	[smem:$0x3FB1] =	sst s7  }
0x10: {  	[smem:$0x3FB2] =	sst s8  }
0x11: {  	[smem:$0x3FB3] =	sst s9;
	s0 =	simm.s32 @!p0 $0x0  }
0x12: {  	s1 =	sld [smem:$0x3F99];
	s0 =	simm.s32 @p0 $0x1  }
0x13: {  	[smem:$0x3FB4] =	sst s0;
	s0 =	simm.s32 @!p1 $0x0  }
0x14: {  	s2 =	sld [smem:$0x3F98];
	s0 =	simm.s32 @p1 $0x1  }
0x15: {  	[smem:$0x3FB5] =	sst s0;
	s0 =	simm.s32 @!p2 $0x0  }
0x16: {  	s3 =	sld [smem:$0x3FDB];
	s0 =	simm.s32 @p2 $0x1  }
0x17: {  	s4 =	simm.s32 $0x1BF5;
	[smem:$0x3FB7] =	sst s0  }
0x18: {  	s0 =	sld [smem:$0x3F9A];
	_ =	swait.ge [sflag:s4], $0x0  }
0x19: {  	s7 =	sld [smem:$0x3F9B]  }
0x1a: {  	s8 =	sadd.s32 $0xFFFFE003, lr  }
0x1b: {  	s9 =	sadd.s32 $0xFFFFFEF7, lr;
	s5 =	simm.s32 $0xFFFFFFFF;
	p2 =	slt.u32 s8, $0xFFFFF086  }
0x1c: {  	p1 =	slt.u32 s9, $0xF7A;
	s5 =	simm.s32 @!p2 $0x0  }
0x1d: {  	s5 =	simm.s32 @p1 $0x1;
	p0 =	seq.s32 s7, s2  }
0x1e: {  	s7 =	smul.u32 @!p0 $0xF7A, s2;
	p2 =	seq.s32 @!p0 s5, $0x0  }
0x1f: {  	s9 =	smul.u32 $0xF7A, s1;
	s8 =	simm.s32 @!p0 $0x1BF5;
	p2 =	por !p2, p0  }
0x20: {  	[sflag:s8] =	ssyncset.s32 @!p0 $0xFFFFF086;
	s6 =	sadd.s32 @!p0 s3, s7;
	s7 =	simm.s32 @!p0 $0x108  }
0x21: {  	s3 =	sadd.s32 s3, s9;
	s6 =	sadd.s32 @!p0 $0x88, s6;
	s7 =	simm.s32 @p2 $0x1082  }
0x22: {  	[simem:s7], [sflag:s8] =	dma.local @!p0 [hbm:s6], $0xF7A  }
0x23: {  	s9 =	sor.u32 $0xD0000000, s2;
	s6 =	simm.s32 $0x108;
	_ =	swait.ge @!p0 [sflag:s8], $0x0  }
0x24: {  	s3 =	sadd.s32 $0x88, s3;
	s6 =	simm.s32 @!p1 $0x1082;
	[sflag:s4] =	ssyncset.s32 $0xFFFFF086  }
0x25: {  	[simem:s6], [sflag:s4] =	dma.local [hbm:s3], $0xF7A  }
0x26: {  	[smem:$0x3F9B] =	sst s1;
	(tag) =	ssettag s2;
	_ =	strace s9  }
0x27: {  	s1 =	sld [smem:$0x3FAB]  }
0x28: {  	s2 =	sld [smem:$0x3FAC]  }
0x29: {  	s4 =	sld [smem:$0x3FAE]  }
0x2a: {  	p0 =	seq.s32 s5, $0x0;
	s5 =	sld [smem:$0x3FAF]  }
0x2b: {  	s6 =	sld [smem:$0x3FB0]  }
0x2c: {  	s7 =	sld [smem:$0x3FB1]  }
0x2d: {  	s3 =	simm.s32 $0x108;
	s8 =	sld [smem:$0x3FB2]  }
0x2e: {  	s3 =	simm.s32 @!p0 $0x1082;
	s9 =	sld [smem:$0x3FB3]  }
0x2f: {  	lr =	sadd.s32 s0, s3;
	s0 =	sld [smem:$0x3FAA]  }
0x30: {  	s3 =	sld [smem:$0x3FAD]  }
0x31: {  	[smem:$0x3FB6] =	sst s10  }
0x32: {  	s10 =	sld [smem:$0x3FB4];
	_ =	sdelay $0x3  }
0x33: {  	p0 =	seq.s32 s10, $0x1;
	s10 =	sld [smem:$0x3FB6];
	_ =	sdelay $0x3  }
0x34: {  	[smem:$0x3FB6] =	sst s10  }
0x35: {  	s10 =	sld [smem:$0x3FB5];
	_ =	sdelay $0x3  }
0x36: {  	p1 =	seq.s32 s10, $0x1;
	s10 =	sld [smem:$0x3FB6];
	_ =	sdelay $0x3  }
0x37: {  	[smem:$0x3FB6] =	sst s10  }
0x38: {  	s10 =	sld [smem:$0x3FB7]  }
0x39: {  	_ = 	snop;
	(pc) =	sbr.ind lr, $3  }
0x3a: {  	_ = 	snop  }
0x3b: {  	_ = 	snop  }
0x3c: {  	p2 =	seq.s32 s10, $0x1;
	s10 =	sld [smem:$0x3FB6]  }
0x3d: {  	_ =	shalt  }
0x3e: {  	_ =	shalt  }
0x3f: {  	_ =	shalt  }
0x40: {  	_ =	shalt  }
0x41: {  	_ =	shalt  }
0x42: {  	_ =	shalt  }
0x43: {  	_ =	shalt  }
0x44: {  	_ =	shalt  }
0x45: {  	_ =	shalt  }
0x46: {  	_ =	shalt  }
0x47: {  	_ =	shalt  }
0x48: {  	_ =	shalt  }
0x49: {  	_ =	shalt  }
0x4a: {  	_ =	shalt  }
0x4b: {  	_ =	shalt  }
0x4c: {  	_ =	shalt  }
0x4d: {  	_ =	shalt  }
0x4e: {  	_ =	shalt  }
0x4f: {  	_ =	shalt  }
0x50: {  	_ =	shalt  }
0x51: {  	_ =	shalt  }
0x52: {  	_ =	shalt  }
0x53: {  	_ =	shalt  }
0x54: {  	_ =	shalt  }
0x55: {  	_ =	shalt  }
0x56: {  	_ =	shalt  }
0x57: {  	_ =	shalt  }
0x58: {  	_ =	shalt  }
0x59: {  	_ =	shalt  }
0x5a: {  	_ =	shalt  }
0x5b: {  	_ =	shalt  }
0x5c: {  	_ =	shalt  }
0x5d: {  	_ =	shalt  }
0x5e: {  	_ =	shalt  }
0x5f: {  	_ =	shalt  }
0x60: {  	_ =	shalt  }
0x61: {  	_ =	shalt  }
0x62: {  	_ =	shalt  }
0x63: {  	_ =	shalt  }
0x64: {  	_ =	shalt  }
0x65: {  	_ =	shalt  }
0x66: {  	_ =	shalt  }
0x67: {  	_ =	shalt  }
0x68: {  	_ =	shalt  }
0x69: {  	_ =	shalt  }
0x6a: {  	_ =	shalt  }
0x6b: {  	_ =	shalt  }
0x6c: {  	_ =	shalt  }
0x6d: {  	_ =	shalt  }
0x6e: {  	_ =	shalt  }
0x6f: {  	_ =	shalt  }
0x70: {  	_ =	shalt  }
0x71: {  	_ =	shalt  }
0x72: {  	_ =	shalt  }
0x73: {  	_ =	shalt  }
0x74: {  	_ =	shalt  }
0x75: {  	_ =	shalt  }
0x76: {  	_ =	shalt  }
0x77: {  	_ =	shalt  }
0x78: {  	_ =	shalt  }
0x79: {  	_ =	shalt  }
0x7a: {  	_ =	shalt  }
0x7b: {  	_ =	shalt  }
0x7c: {  	_ =	shalt  }
0x7d: {  	_ =	shalt  }
0x7e: {  	_ =	shalt  }
0x7f: {  	_ =	shalt  }
0x80: {  	_ =	shalt  }
0x81: {  	_ =	shalt  }
0x82: {  	_ =	shalt  }
0x83: {  	_ =	shalt  }
0x84: {  	_ =	shalt  }
0x85: {  	_ =	shalt  }
0x86: {  	_ =	shalt  }
0x87: {  	_ =	shalt  }
.Lfunc_end0:
.L_simem_size_0:
called_computation_lowered:
.L_overlay_start_0:
0x88: {  	s2 =	sld [smem:$0x3FD9]  }
0x89: {  	s3 =	sld [smem:$0x3FFE];
	_ =	sdelay $0x1  }
0x8a: {  	s1 =	srdreg.scid  }
0x8b: {  	s0 =	sand.u32 $0x1, s1  }
0x8c: {  	s16 =	sshll.u32 s0, $0xA;
	s2 =	sadd.s32 s3, s2  }
0x8d: {  	s2 =	sadd.s32 s2, s16  }
0x8e: {  	[smem:$0x3FC2] =	sst s2  }
0x8f: {  	_ = 	snop  }
0x90: {  	(tm) =	ssettm $0x1  }
0x91: {  	s17 =	sld [smem:$0x3FFB];
	_ =	sdelay $0x3  }
0x92: {  	_ =	strace s17  }
0x93: {  	s2 =	sld [smem:$0x3FFC];
	_ =	sdelay $0x3  }
0x94: {  	_ =	strace s2  }
0x95: {  	s2 =	sld [smem:$0x3FFD];
	_ =	sdelay $0x3  }
0x96: {  	_ =	strace s2  }
0x97: {  	_ =	strace $0x8FFFFFFF  }
0x98: {  	s18 =	sld [smem:$0x3FDB];
	_ =	sdelay $0x1  }
0x99: {  	s19 =	simm.s32 $_scs_section_size  }
0x9a: {  	s4 =	simm.s32 $_size__tile_overlayer_lowered;
	s5 =	simm.s32 $_tile_overlayer_lowered  }
0x9b: {  	s22 =	simm.s32 $0x1BFF;
	s21 =	sshll.u32 s5, $0x1;
	s2 =	sadd.s32 s19, s18  }
0x9c: {  	s6 =	simm.s32 $0x0;
	s20 =	sshll.u32 s4, $0x1;
	s4 =	sadd.s32 s21, s2  }
0x9d: {  	[timem:s6], [sflag:s22] =	dma.local [hbm:s4], s20  }
0x9e: {  	_ =	swait.ge [sflag:s22], s20  }
0x9f: {  	s3 =	ssub.s32 $0x0, s20;
	[sflag:s22] =	ssyncset.done $0x0  }
0xa0: {  	[sflag:s22] =	ssyncadd.s32 s3;
	_ =	sdelay $0x1  }
0xa1: {  	s23 =	simm.s32 $0x1B8B  }
0xa2: {  	_ =	swait.ge [sflag:s23], $0x1  }
0xa3: {  	[sflag:s23] =	ssyncset.done $0x0  }
0xa4: {  	s25 =	simm.s32 $0x1B8E;
	s24 =	sld [smem:$0x3FFE];
	[sflag:s23] =	ssyncadd.s32 $0xFFFFFFFF  }
0xa5: {  	s26 =	simm.s32 $execute0_lowered;
	[smem:$0x3FD2] =	sst s25  }
0xa6: {  	s4 =	sshll.u32 s26, $0x1;
	_ =	strace $0x80000046;
	[dreg:$0x1] =	wrdreg $0xFFFFFFFF  }
0xa7: {  	s28 =	simm.s32 $_size_execute0_lowered;
	s2 =	sadd.s32 s2, s4;
	[dreg:$0x0] =	wrdreg $0x0  }
0xa8: {  	s4 =	sshll.u32 s28, $0x1;
	[dreg:$0x2] =	wrdreg s2  }
0xa9: {  	[dreg:$0x3] =	wrdreg s4  }
0xaa: {  	[dreg:$0x4] =	wrdreg $0xC0  }
0xab: {  	_ =	task [dreg:s6], $0x5FFFF  }
0xac: {  	[dreg:$0x1] =	wrdreg $0xFFFFFFFF  }
0xad: {  	[dreg:$0x0] =	wrdreg $0x60  }
0xae: {  	[dreg:$0x2] =	wrdreg s24  }
0xaf: {  	[dreg:$0x3] =	wrdreg $0x9  }
0xb0: {  	_ =	task.clear_ibuf [dreg:s6], $0x4FFFF;
	_ =	strace $0x90000046  }
0xb1: {  	s29 =	simm.s32 $0x9;
	_ =	strace $0x80000048  }
0xb2: {  	_ =	swait.ge [sflag:s29], $0x1  }
0xb3: {  	[sflag:s29] =	ssyncadd.s32 $0xFFFFFFFF  }
0xb4: {  	_ =	strace $0x90000048  }
0xb5: {  	_ =	sfence  }
0xb6: {  	s30 =	sld [smem:$0x0];
	_ =	sdelay $0x2  }
0xb7: {  	s31 =	sshll.u32 s1, $0xD;
	s1 =	sshrl.u32 s1, $0x2  }
0xb8: {  	s3 =	sand.u32 $0x4000, s31;
	s1 =	sadd.s32 s1, s30  }
0xb9: {  	s0 =	sor.u32 s3, s0;
	s1 =	sshll.u32 s1, $0x11  }
0xba: {  	s0 =	sor.u32 s1, s0  }
0xbb: {  	s0 =	sadd.s32 $0x8F2B, s0  }
0xbc: {  	[sflag:s0] =	ssyncadd.remote.s32 $0x1  }
0xbd: {  	_ =	sfence.sel $0xFFFF  }
0xbe: {  	[dreg:$0x0] =	wrdreg $0xFFFFFFFF;
	(pc) =	sbr.abs _section_cstart, $3  }
0xbf: {  	[dreg:$0x1] =	wrdreg $0xFFFFFFFF  }
0xc0: {  	_ =	task.clear_ibuf [dreg:s6], $0x2FFFF;
	_ =	strace $0x9FFFFFFF  }
0xc1: {  	(tm) =	ssettm $0x7FFFFFFF  }
tec
execute0_lowered:
.L_overlay_start_1:
0x0: {  	(tag) =	ssettag $0x1  }
0x1: {  	s1 =	srdreg.scid;
	s0 =	stileid.u32  }
0x2: {  	s10 =	sand.u32 $0x1, s1;
	s28 =	sshll.u32 s0, $0x1  }
0x3: {  	s11 =	sor.u32 s10, s28  }
0x4: {  	s9 =	rddreg [dreg:$0x0];
	s3 =	smul.u32 $0x320, s11  }
0x5: {  	s2 =	simm.s32 $0x0;
	s1 =	rddreg [dreg:$0x1]  }
0x6: {  	[smem:$0x7FF] =	sst s2;
	s3 =	sadd.s32 s3, s9  }
0x7: {  	_ =	strace $0x80000047;
	s4 =	sadd.s32 $0xC00, s3;
	s3 =	simm.s32 $0x2  }
0x8: {  	[tilespmem:s2], [sflag:$0x2] =	stream.linear.gather [hbm4b:s4+s2], $0x1900, $0x38;
	[tilespmem:$0x1A900] =	vst v63  }
0x9: {  	_ =	swait.ge [sflag:s3], $0x1900  }
0xa: {  	s6 =	simm.s32 $0xC80;
	s7 =	simm.s32 $0x1900;
	[sflag:s3] =	ssyncset.done $0x0  }
0xb: {  	s8 =	simm.s32 $0x1;
	s5 =	sadd.s32 $0xF43000, s9;
	[sflag:s3] =	ssyncadd.s32 $0xFFFFE700  }
0xc: {  	[tilespmem:s7], [sflag:$0x1] =	stream.indirect.gather [hbm4b:s5+s6], $0x20, s2, s6, $0xb8;
	[tilespmem:$0x1A900] =	vst v63  }
0xd: {  	s12 =	smul.u32 $0x6400, s11;
	_ =	swait.ge [sflag:s8], $0x19000  }
0xe: {  	s13 =	sadd.s32 $0x7000, s9;
	[sflag:s8] =	ssyncset.done $0x0  }
0xf: {  	s10 =	ssub.s32 $0x2, s10;
	s9 =	sadd.s32 s13, s12;
	[sflag:s8] =	ssyncadd.s32 $0xFFFE7000  }
0x10: {  	[hbm4b:s9+s2] =	stream.linear.scatter [tilespmem:s7], [sflag:$0x2], $0x19000, $0x38;
	[tilespmem:$0x1A900] =	vst v63  }
0x11: {  	s29 =	sshrl.u32 s10, $0x1;
	_ =	swait.ge [sflag:s3], $0x19000  }
0x12: {  	s12 =	ssub.s32 s10, s29;
	[sflag:s3] =	ssyncset.done $0x0  }
0x13: {  	s11 =	smul.u32 $0x32000, s11;
	s31 =	smax.u32 s12, $0x1;
	[sflag:s3] =	ssyncadd.s32 $0xFFFE7000  }
0x14: {  	[tilespmem:s7], [sflag:$0x1] =	stream.indirect.gather [hbm4b:s5+s6], $0x20, s6, s6, $0xb8;
	[tilespmem:$0x1A900] =	vst v63  }
0x15: {  	s11 =	sshrl.u32 s11, $0x3;
	p0 =	sne.s32 s31, $0x1;
	_ =	swait.ge [sflag:s8], $0x19000  }
.Ltmp0:
0x16: {  	s30 =	sadd.s32 s13, s11;
	[sflag:s8] =	ssyncset.done $0x0;
	(pc) =	sbr.rel @!p0 .LBB2_2-.Ltmp0, $4  }
0x17: {  	s10 =	sadd.s32 $0x3200, s30;
	[sflag:s8] =	ssyncadd.s32 $0xFFFE7000  }
0x18: {  	[hbm4b:s10+s2] =	stream.linear.scatter [tilespmem:s7], [sflag:$0x2], $0x19000, $0x38;
	[tilespmem:$0x1A900] =	vst v63  }
0x19: {  	_ =	swait.ge [sflag:s3], $0x19000  }
0x1a: {  	s11 =	sadd.s32 $0xFFFFFFFF, s31;
	[sflag:s3] =	ssyncset.done $0x0  }
.LBB2_1:
0x1b: {  	p0 =	sne.s32 s11, $0x1;
	s11 =	sadd.s32 $0xFFFFFFFF, s11;
	[sflag:s3] =	ssyncadd.s32 $0xFFFE7000  }
0x1c: {  	[tilespmem:s2], [sflag:$0x2] =	stream.linear.gather [hbm4b:s4+s2], $0x1900, $0x38;
	[tilespmem:$0x1A900] =	vst v63  }
0x1d: {  	_ =	swait.ge [sflag:s3], $0x1900  }
0x1e: {  	[sflag:s3] =	ssyncset.done $0x0  }
0x1f: {  	[sflag:s3] =	ssyncadd.s32 $0xFFFFE700  }
0x20: {  	[tilespmem:s7], [sflag:$0x1] =	stream.indirect.gather [hbm4b:s5+s6], $0x20, s2, s6, $0xb8;
	[tilespmem:$0x1A900] =	vst v63  }
0x21: {  	_ =	swait.ge [sflag:s8], $0x19000  }
0x22: {  	[sflag:s8] =	ssyncset.done $0x0  }
0x23: {  	[sflag:s8] =	ssyncadd.s32 $0xFFFE7000  }
0x24: {  	[hbm4b:s9+s2] =	stream.linear.scatter [tilespmem:s7], [sflag:$0x2], $0x19000, $0x38;
	[tilespmem:$0x1A900] =	vst v63  }
0x25: {  	_ =	swait.ge [sflag:s3], $0x19000  }
0x26: {  	[sflag:s3] =	ssyncset.done $0x0  }
0x27: {  	[sflag:s3] =	ssyncadd.s32 $0xFFFE7000  }
0x28: {  	[tilespmem:s7], [sflag:$0x1] =	stream.indirect.gather [hbm4b:s5+s6], $0x20, s6, s6, $0xb8;
	[tilespmem:$0x1A900] =	vst v63  }
0x29: {  	_ =	swait.ge [sflag:s8], $0x19000  }
.Ltmp1:
0x2a: {  	[sflag:s8] =	ssyncset.done $0x0;
	(pc) =	sbr.rel @p0 .LBB2_1-.Ltmp1, $4  }
0x2b: {  	[sflag:s8] =	ssyncadd.s32 $0xFFFE7000  }
0x2c: {  	[hbm4b:s10+s2] =	stream.linear.scatter [tilespmem:s7], [sflag:$0x2], $0x19000, $0x38;
	[tilespmem:$0x1A900] =	vst v63  }
0x2d: {  	_ =	swait.ge [sflag:s3], $0x19000  }
0x2e: {  	[sflag:s3] =	ssyncset.done $0x0  }
.LBB2_2:
0x2f: {  	[sflag:s3] =	ssyncadd.s32 $0xFFFE7000  }
0x30: {  	_ =	sfence.sel $0x180000  }
0x31: {  	[bflag:$0x0] =	sbarrier.arrive $0xFFFF  }
0x32: {  	p0 =	sne.s32 s0, $0x0;
	_ =	strace $0x90000047  }
0x33: {  	s0 =	sadd.s32 @!p0 $0x100000, s1;
	[bflag:$0x2] =	sbarrier.arrive $0xFFFF  }
0x34: {  	[sflag:s0] =	ssyncadd.tile.s32 @!p0 $0x1;
	_ =	shalt  }
.Lfunc_end2:
_tile_overlayer_lowered:
.L_overlay_start_2:
0x35: {  	(tag) =	ssettag $0x2  }
0x36: {  	s0 =	rddreg [dreg:$0x0];
	s2 =	stileid.u32  }
0x37: {  	s1 =	rddreg [dreg:$0x1];
	p0 =	sne.s32 s2, $0x0  }
0x38: {  	s3 =	rddreg [dreg:$0x2];
	[bflag:$0x3] =	sbarrier.arrive $0xFFFF;
	s2 =	simm.s32 @!p0 $0x1C02  }
0x39: {  	[timem:s3], [sflag:s2] =	dma.local @!p0 [hbm:s0], s1  }
0x3a: {  	s0 =	simm.s32 @!p0 $0x2  }
0x3b: {  	_ =	swait.ge @!p0 [sflag:s0], s1  }
0x3c: {  	s1 =	ssub.s32 @!p0 $0x0, s1;
	[sflag:s0] =	ssyncset.done @!p0 $0x0  }
0x3d: {  	[sflag:s0] =	ssyncadd.s32 @!p0 s1  }
0x3e: {  	[bflag:$0x3] =	sbarrier.arrive $0xFFFF  }
0x3f: {  	_ =	shalt  }

</sc_bundles>
